<compile_context>
chip_gen: v7x
topology: tpu7x:2x2x1
jax: 0.10.2.dev20260603
libtpu: 0.0.44.dev20260713+nightly
codegen_flags: <defaults>
</compile_context>

<pallas_src>
import jax
import jax.numpy as jnp
import numpy as np
from jax import lax
from jax.experimental import pallas as pl
from jax.experimental.pallas import tpu as pltpu
from jax.experimental.pallas import tpu_sc as plsc

_NQ = 300
_NC = 80
_K = 100
_FLAT = _NQ * _NC
_ROWS = 188

def _topk_body(labels_ref, boxes_ref, mat_ref, vals_ref, qidx_ref, selb_ref):
    sig_all = 1.0 / (1.0 + jnp.exp(-labels_ref[...]))
    row_iota = lax.broadcasted_iota(jnp.int32, (_ROWS, 128), 0)
    col_iota = lax.broadcasted_iota(jnp.int32, (_ROWS, 128), 1)
    flat_iota = row_iota * 128 + col_iota
    lane = lax.broadcasted_iota(jnp.int32, (1, 128), 1)

    cur0 = jnp.where(labels_ref[...] == -jnp.inf, -1.0, sig_all)
    cm0 = jnp.max(cur0, axis=0, keepdims=True)
    vals0 = jnp.zeros((1, 128), jnp.float32)
    idx0 = jnp.zeros((1, 128), jnp.int32)

    def body(k, carry):
        cur, cm, vals, idx = carry
        m = jnp.max(cm, axis=1, keepdims=True)
        eq = cur == m
        sel = jnp.min(jnp.where(eq, flat_iota, _FLAT))
        onek = lane == k
        vals = jnp.where(onek, m, vals)
        idx = jnp.where(onek, sel, idx)
        knocked = jnp.where(flat_iota == sel, -1.0, cur)
        colmask = lane == (sel % 128)
        colred = jnp.max(jnp.where(colmask, knocked, -1.0), axis=0,
                         keepdims=True)
        cm = jnp.where(colmask, colred, cm)
        return (knocked, cm, vals, idx)

    _, _, valsf, idxf = lax.fori_loop(0, _K, body,
                                      (cur0, cm0, vals0, idx0))
    vals_ref[...] = valsf
    qidx_ref[...] = idxf

    fidx = qidx_ref[...].astype(jnp.float32)
    q = jnp.floor((fidx + 0.5) * (1.0 / _NC)).astype(jnp.int32)
    qidx_ref[...] = q

    tb = jax.lax.dot_general(boxes_ref[...], mat_ref[...],
                             (((1,), (0,)), ((), ())),
                             preferred_element_type=jnp.float32,
                             precision=jax.lax.Precision.HIGHEST)
    tb = jnp.concatenate([tb, jnp.zeros((4, 6), jnp.float32)], axis=0)
    tb = jnp.concatenate([tb, jnp.zeros((304, 122), jnp.float32)], axis=1)
    selb_ref[...] = tb


_SC_NW = 32
_SC_B = 256
_SC_BPW = _SC_B // _SC_NW


def _box_gather_sc(table_hbm, idx_hbm, out_hbm, idx_v, rows_v, sem):
    wid = lax.axis_index("s") * 2 + lax.axis_index("c")
    base = wid * _SC_BPW
    pltpu.sync_copy(idx_hbm.at[pl.ds(base, _SC_BPW)], idx_v)
    pltpu.async_copy(table_hbm.at[idx_v], rows_v, sem).wait()
    pltpu.sync_copy(rows_v, out_hbm.at[pl.ds(base, _SC_BPW)])


def _mask_body(qidx_ref, vals_ref, mask_ref, bin_ref, score_ref):
    i = pl.program_id(0)
    m = mask_ref[0]
    pos = m > 0
    binm = jnp.where(pos, 1.0, 0.0).astype(jnp.float32)
    bin_ref[0] = binm
    sig = 1.0 / (1.0 + jnp.exp(-m))
    num = jnp.sum(jnp.where(pos, sig, 0.0))
    den = jnp.sum(binm)
    score = vals_ref[i] * (num / (den + 1e-6))
    score_ref[...] = jnp.full((1, 1, 128), score, jnp.float32)


def kernel(predicted_labels, predicted_masks, predicted_boxes):
    flat = predicted_labels.reshape(-1)
    flat = jnp.concatenate(
        [flat, jnp.full((_ROWS * 128 - _FLAT,), -jnp.inf, jnp.float32)])
    labels_pad = flat.reshape(_ROWS, 128)

    a = np.zeros((6, 6), np.float32)
    for i in range(3):
        a[i, i] = 1.0
        a[i, i + 3] = 1.0
        a[i + 3, i] = -0.5
        a[i + 3, i + 3] = 0.5
    scale = np.array([112.0, 112.0, 16.0, 112.0, 112.0, 16.0], np.float32)
    mat = jnp.asarray(a * scale[None, :])

    vals2, qidx2, selb = pl.pallas_call(
        _topk_body,
        out_shape=[
            jax.ShapeDtypeStruct((1, 128), jnp.float32),
            jax.ShapeDtypeStruct((1, 128), jnp.int32),
            jax.ShapeDtypeStruct((304, 128), jnp.float32),
        ],
    )(labels_pad, predicted_boxes, mat)

    qidx = qidx2[0, :_K]
    vals = vals2[0, :_K]

    grid_spec = pltpu.PrefetchScalarGridSpec(
        num_scalar_prefetch=2,
        grid=(_K,),
        in_specs=[
            pl.BlockSpec((1, 16, 112, 112),
                         lambda i, qref, vref: (qref[i], 0, 0, 0)),
        ],
        out_specs=[
            pl.BlockSpec((1, 16, 112, 112),
                         lambda i, qref, vref: (i, 0, 0, 0)),
            pl.BlockSpec((1, 1, 128), lambda i, qref, vref: (i, 0, 0)),
        ],
    )
    bin4, scores3 = pl.pallas_call(
        _mask_body,
        grid_spec=grid_spec,
        out_shape=[
            jax.ShapeDtypeStruct((_K, 16, 112, 112), jnp.float32),
            jax.ShapeDtypeStruct((_K, 1, 128), jnp.float32),
        ],
    )(qidx, vals, predicted_masks)
    bin_masks = bin4

    qidx_pad = jnp.concatenate(
        [qidx, jnp.zeros((_SC_B - _K,), jnp.int32)])
    gathered = pl.kernel(
        _box_gather_sc,
        out_type=jax.ShapeDtypeStruct((_SC_B, 128), jnp.float32),
        mesh=plsc.VectorSubcoreMesh(core_axis_name="c", subcore_axis_name="s"),
        scratch_types=[
            pltpu.VMEM((_SC_BPW,), jnp.int32),
            pltpu.VMEM((_SC_BPW, 128), jnp.float32),
            pltpu.SemaphoreType.DMA,
        ],
    )(selb, qidx_pad)
    sel_boxes = gathered[:_K, :6]

    final_scores = scores3[:, 0, 0]
    return final_scores, sel_boxes, bin_masks

# --- scband reference (transcript-rebuilt; emitter-appended) ---
"""Pipeline reference for scband-mask-dino-78262894068382 (READ-ONLY COPY).

The authoritative reference and input builder live on the scoring server;
editing this copy changes nothing except your own understanding.
"""

import jax, jax.numpy as jnp
import numpy as np

NUM_QUERIES = 300
NUM_CLASSES = 80
TOPK = 100


def box_cxcyczwhd_to_xyzxyz(b):
    cx, cy, cz, w, h, d = jnp.split(b, 6, axis=-1)
    return jnp.concatenate([
        cx - 0.5 * w, cy - 0.5 * h, cz - 0.5 * d,
        cx + 0.5 * w, cy + 0.5 * h, cz + 0.5 * d
    ], axis=-1)


def setup_inputs(seed: int = 0) -> dict:
    key = jax.random.key(seed)
    k1, k2, k3 = jax.random.split(key, 3)
    predicted_labels = jax.random.normal(k1, (NUM_QUERIES, NUM_CLASSES), dtype=jnp.float32)
    predicted_masks = jax.random.normal(k2, (NUM_QUERIES, 16, 112, 112), dtype=jnp.float32)
    predicted_boxes = jax.random.uniform(k3, (NUM_QUERIES, 6), dtype=jnp.float32)
    return {
        "predicted_labels": predicted_labels,
        "predicted_masks": predicted_masks,
        "predicted_boxes": predicted_boxes,
    }


def reference(predicted_labels, predicted_masks, predicted_boxes):
    # box_postprocess: cxcyczwhd -> xyzxyz, scale to original image size
    depth, height, width = 16.0, 112.0, 112.0
    scale = jnp.array([width, height, depth, width, height, depth], dtype=jnp.float32)
    boxes = box_cxcyczwhd_to_xyzxyz(predicted_boxes) * scale

    # inference: sigmoid scores, flatten (queries x classes), top-k per image
    labels = jax.nn.sigmoid(predicted_labels)
    flat = labels.reshape(-1)
    topk_vals, topk_idx = jax.lax.top_k(flat, TOPK)
    topk_query_indices = topk_idx // NUM_CLASSES

    # gather masks and boxes for selected queries
    masks = jnp.take(predicted_masks, topk_query_indices, axis=0)
    bin_masks = (masks > 0).astype(jnp.float32)
    sel_boxes = jnp.take(boxes, topk_query_indices, axis=0)

    # mask confidence score
    masks_flat = bin_masks.reshape(TOPK, -1)
    sig_flat = jax.nn.sigmoid(masks).reshape(TOPK, -1)
    mask_confidence = (sig_flat * masks_flat).sum(axis=1) / (masks_flat.sum(axis=1) + 1e-06)

    # focus_on_boxes=False -> multiply label score by mask confidence
    final_scores = topk_vals * mask_confidence
    return final_scores, sel_boxes, bin_masks

if __name__ == "__main__":
    import jax
    _d = setup_inputs()
    print(jax.jit(kernel)(*tuple(_d.values())))

</pallas_src>

<mosaic_0001>
#map = affine_map<(d0, d1) -> (0, 0)>
#map1 = affine_map<(d0, d1) -> (0)>
module attributes {stable_mosaic.version = 14 : i64} {
  func.func @_box_gather_sc(%arg0: i32, %arg1: i32, %arg2: memref<304x128xf32, #tpu.memory_space<hbm>>, %arg3: memref<256xi32, #tpu.memory_space<hbm>>, %arg4: memref<256x128xf32, #tpu.memory_space<hbm>>, %arg5: memref<8xi32, #tpu.memory_space<vmem>>, %arg6: memref<8x128xf32, #tpu.memory_space<vmem>>, %arg7: memref<!tpu.dma_semaphore, #tpu.memory_space<semaphore_mem>>) attributes {dimension_semantics = [#tpu.dimension_semantics<core_parallel>, #tpu.dimension_semantics<subcore_parallel>], iteration_bounds = array<i64: 2, 16>, scalar_prefetch = 0 : i64, scratch_operands = 3 : i64, tpu.core_type = #tpu.core_type<sc_vector_subcore>, window_params = [{transform_indices = #map}, {transform_indices = #map1}, {transform_indices = #map}]} {
    %mul3A = arith.constant 2 : i32
    %mul3A_0 = arith.muli %arg1, %mul3A : i32
    %add3A = arith.addi %mul3A_0, %arg0 : i32
    %mul3A_1 = arith.constant 8 : i32
    %mul3A_2 = arith.muli %add3A, %mul3A_1 : i32
    "tpu.region"() ({
      %run_scoped3A = tpu.sem_alloc : memref<!tpu.dma_semaphore, #tpu.memory_space<semaphore_mem>>
      %dma_start3A_7 = tpu.memref_slice %arg3[%mul3A_2] : memref<256xi32, #tpu.memory_space<hbm>> -> memref<8xi32, #tpu.memory_space<hbm>>
      %dma_start3A_8 = tpu.memref_slice %arg3[%mul3A_2] : memref<256xi32, #tpu.memory_space<hbm>> -> memref<8xi32, #tpu.memory_space<hbm>>
      tpu.enqueue_dma source(%dma_start3A_8 : memref<8xi32, #tpu.memory_space<hbm>>) target(%arg5 : memref<8xi32, #tpu.memory_space<vmem>>) target_semaphore(%run_scoped3A : memref<!tpu.dma_semaphore, #tpu.memory_space<semaphore_mem>>)
      %dma_wait3A_9 = tpu.memref_slice %arg3[%mul3A_2] : memref<256xi32, #tpu.memory_space<hbm>> -> memref<8xi32, #tpu.memory_space<hbm>>
      %dma_wait3A_10 = tpu.memref_slice %arg3[%mul3A_2] : memref<256xi32, #tpu.memory_space<hbm>> -> memref<8xi32, #tpu.memory_space<hbm>>
      tpu.wait_dma2 semaphore(%run_scoped3A : memref<!tpu.dma_semaphore, #tpu.memory_space<semaphore_mem>>) src(%dma_wait3A_10 : memref<8xi32, #tpu.memory_space<hbm>>) dst(%arg5 : memref<8xi32, #tpu.memory_space<vmem>>)
      tpu.yield
    }) : () -> ()
    %dma_start3A = arith.constant 0 : i32
    %dma_start3A_3 = arith.constant 0 : i32
    %dma_start3A_4 = tpu.memref_slice %arg2[%dma_start3A, %dma_start3A_3] : memref<304x128xf32, #tpu.memory_space<hbm>> -> memref<304x128xf32, #tpu.memory_space<hbm>>
    tpu.enqueue_indirect_dma source(%dma_start3A_4 : memref<304x128xf32, #tpu.memory_space<hbm>>) target(%arg6 : memref<8x128xf32, #tpu.memory_space<vmem>>) offsets(%arg5 : memref<8xi32, #tpu.memory_space<vmem>>) semaphore(%arg7 : memref<!tpu.dma_semaphore, #tpu.memory_space<semaphore_mem>>)
    %dma_wait3A = arith.constant 0 : i32
    %dma_wait3A_5 = arith.constant 0 : i32
    %dma_wait3A_6 = tpu.memref_slice %arg2[%dma_wait3A, %dma_wait3A_5] : memref<304x128xf32, #tpu.memory_space<hbm>> -> memref<304x128xf32, #tpu.memory_space<hbm>>
    tpu.wait_indirect_dma semaphore(%arg7 : memref<!tpu.dma_semaphore, #tpu.memory_space<semaphore_mem>>) src(%dma_wait3A_6 : memref<304x128xf32, #tpu.memory_space<hbm>>) dst(%arg6 : memref<8x128xf32, #tpu.memory_space<vmem>>)
    "tpu.region"() ({
      %run_scoped3A = tpu.sem_alloc : memref<!tpu.dma_semaphore, #tpu.memory_space<semaphore_mem>>
      %dma_start3A_7 = arith.constant 0 : i32
      %dma_start3A_8 = tpu.memref_slice %arg4[%mul3A_2, %dma_start3A_7] : memref<256x128xf32, #tpu.memory_space<hbm>> -> memref<8x128xf32, #tpu.memory_space<hbm>>
      %dma_start3A_9 = arith.constant 0 : i32
      %dma_start3A_10 = tpu.memref_slice %arg4[%mul3A_2, %dma_start3A_9] : memref<256x128xf32, #tpu.memory_space<hbm>> -> memref<8x128xf32, #tpu.memory_space<hbm>>
      tpu.enqueue_dma source(%arg6 : memref<8x128xf32, #tpu.memory_space<vmem>>) target(%dma_start3A_10 : memref<8x128xf32, #tpu.memory_space<hbm>>) target_semaphore(%run_scoped3A : memref<!tpu.dma_semaphore, #tpu.memory_space<semaphore_mem>>)
      %dma_wait3A_11 = arith.constant 0 : i32
      %dma_wait3A_12 = tpu.memref_slice %arg4[%mul3A_2, %dma_wait3A_11] : memref<256x128xf32, #tpu.memory_space<hbm>> -> memref<8x128xf32, #tpu.memory_space<hbm>>
      %dma_wait3A_13 = arith.constant 0 : i32
      %dma_wait3A_14 = tpu.memref_slice %arg4[%mul3A_2, %dma_wait3A_13] : memref<256x128xf32, #tpu.memory_space<hbm>> -> memref<8x128xf32, #tpu.memory_space<hbm>>
      tpu.wait_dma2 semaphore(%run_scoped3A : memref<!tpu.dma_semaphore, #tpu.memory_space<semaphore_mem>>) src(%arg6 : memref<8x128xf32, #tpu.memory_space<vmem>>) dst(%dma_wait3A_14 : memref<8x128xf32, #tpu.memory_space<hbm>>)
      tpu.yield
    }) : () -> ()
    return
  }
}

module attributes {stable_mosaic.version = 14 : i64} {
  func.func @_mask_body(%arg0: i32, %arg1: memref<100xi32, #tpu.memory_space<smem>>, %arg2: memref<100xf32, #tpu.memory_space<smem>>, %arg3: memref<1x16x112x112xf32, #tpu.memory_space<vmem>>, %arg4: memref<1x16x112x112xf32, #tpu.memory_space<vmem>>, %arg5: memref<1x1x128xf32, #tpu.memory_space<vmem>>) attributes {dimension_semantics = [#tpu.dimension_semantics<arbitrary>], iteration_bounds = array<i64: 100>, scalar_prefetch = 2 : i64, scratch_operands = 0 : i64, tpu.core_type = #tpu.core_type<tc>, window_params = [{transform_indices = @transform_0, window_bounds = array<i64: 1, 16, 112, 112>}, {transform_indices = @transform_1, window_bounds = array<i64: 1, 16, 112, 112>}, {transform_indices = @transform_2, window_bounds = array<i64: 1, 1, 128>}]} {
    %get3A = arith.constant 0 : index
    %get3A_0 = arith.constant 0 : index
    %get3A_1 = arith.constant 0 : index
    %get3A_2 = arith.constant 0 : index
    %get3A_3 = vector.load %arg3[%get3A, %get3A_0, %get3A_1, %get3A_2] : memref<1x16x112x112xf32, #tpu.memory_space<vmem>>, vector<1x16x112x112xf32>
    %get3A_4 = vector.shape_cast %get3A_3 : vector<1x16x112x112xf32> to vector<16x112x112xf32>
    %gt3A = arith.constant 0.000000e+00 : f32
    %gt3A_5 = vector.broadcast %gt3A : f32 to vector<16x112x112xf32>
    %gt3A_6 = arith.cmpf ogt, %get3A_4, %gt3A_5 : vector<16x112x112xf32>
    %jit3A = arith.constant 1.000000e+00 : f32
    %jit3A_7 = arith.constant 0.000000e+00 : f32
    %broadcast_in_dim3A = vector.broadcast %jit3A : f32 to vector<16x112x112xf32>
    %broadcast_in_dim3A_8 = vector.broadcast %jit3A_7 : f32 to vector<16x112x112xf32>
    %select_n3A = arith.select %gt3A_6, %broadcast_in_dim3A, %broadcast_in_dim3A_8 : vector<16x112x112xi1>, vector<16x112x112xf32>
    %swap3A = arith.constant 0 : index
    %swap3A_9 = arith.constant 0 : index
    %swap3A_10 = arith.constant 0 : index
    %swap3A_11 = arith.constant 0 : index
    %swap3A_12 = vector.load %arg4[%swap3A, %swap3A_9, %swap3A_10, %swap3A_11] : memref<1x16x112x112xf32, #tpu.memory_space<vmem>>, vector<1x16x112x112xf32>
    %swap3A_13 = vector.shape_cast %swap3A_12 : vector<1x16x112x112xf32> to vector<16x112x112xf32>
    %swap3A_14 = vector.shape_cast %select_n3A : vector<16x112x112xf32> to vector<1x16x112x112xf32>
    tpu.vector_store %arg4[%swap3A, %swap3A_9, %swap3A_10, %swap3A_11], %swap3A_14 {strides = array<i32>} : memref<1x16x112x112xf32, #tpu.memory_space<vmem>>, vector<1x16x112x112xf32>,
    %neg3A = arith.constant 0.000000e+00 : f32
    %neg3A_15 = vector.broadcast %neg3A : f32 to vector<16x112x112xf32>
    %neg3A_16 = arith.subf %neg3A_15, %get3A_4 : vector<16x112x112xf32>
    %exp3A = math.exp %neg3A_16 : vector<16x112x112xf32>
    %add3A = arith.constant 1.000000e+00 : f32
    %add3A_17 = vector.broadcast %add3A : f32 to vector<16x112x112xf32>
    %add3A_18 = arith.addf %add3A_17, %exp3A : vector<16x112x112xf32>
    %div3A = arith.constant 1.000000e+00 : f32
    %div3A_19 = vector.broadcast %div3A : f32 to vector<16x112x112xf32>
    %div3A_20 = arith.divf %div3A_19, %add3A_18 : vector<16x112x112xf32>
    %jit3A_21 = arith.constant 0.000000e+00 : f32
    %broadcast_in_dim3A_22 = vector.broadcast %jit3A_21 : f32 to vector<16x112x112xf32>
    %select_n3A_23 = arith.select %gt3A_6, %div3A_20, %broadcast_in_dim3A_22 : vector<16x112x112xi1>, vector<16x112x112xf32>
    %reduce_sum3A = vector.shape_cast %select_n3A_23 : vector<16x112x112xf32> to vector<1x16x112x112xf32>
    %reduce_sum3A_24 = arith.constant dense<0.000000e+00> : vector<1xf32>
    %reduce_sum3A_25 = vector.multi_reduction <add>, %reduce_sum3A, %reduce_sum3A_24 [1, 2, 3] : vector<1x16x112x112xf32> to vector<1xf32>
    %reduce_sum3A_26 = vector.shape_cast %reduce_sum3A_25 : vector<1xf32> to vector<1x1x1x1xf32>
    %reduce_sum3A_27 = vector.extract %reduce_sum3A_26[0, 0, 0, 0] : f32 from vector<1x1x1x1xf32>
    %reduce_sum3A_28 = vector.shape_cast %select_n3A : vector<16x112x112xf32> to vector<1x16x112x112xf32>
    %reduce_sum3A_29 = arith.constant dense<0.000000e+00> : vector<1xf32>
    %reduce_sum3A_30 = vector.multi_reduction <add>, %reduce_sum3A_28, %reduce_sum3A_29 [1, 2, 3] : vector<1x16x112x112xf32> to vector<1xf32>
    %reduce_sum3A_31 = vector.shape_cast %reduce_sum3A_30 : vector<1xf32> to vector<1x1x1x1xf32>
    %reduce_sum3A_32 = vector.extract %reduce_sum3A_31[0, 0, 0, 0] : f32 from vector<1x1x1x1xf32>
    %get3A_33 = arith.index_cast %arg0 : i32 to index
    %get3A_34 = memref.load %arg2[%get3A_33] : memref<100xf32, #tpu.memory_space<smem>>
    %add3A_35 = arith.constant 9.99999997E-7 : f32
    %add3A_36 = arith.addf %reduce_sum3A_32, %add3A_35 : f32
    %div3A_37 = arith.divf %reduce_sum3A_27, %add3A_36 : f32
    %mul3A = arith.mulf %get3A_34, %div3A_37 : f32
    %broadcast_in_dim3A_38 = vector.broadcast %mul3A : f32 to vector<1x1x128xf32>
    %swap3A_39 = arith.constant 0 : index
    %swap3A_40 = arith.constant 0 : index
    %swap3A_41 = arith.constant 0 : index
    %swap3A_42 = vector.load %arg5[%swap3A_39, %swap3A_40, %swap3A_41] : memref<1x1x128xf32, #tpu.memory_space<vmem>>, vector<1x1x128xf32>
    tpu.vector_store %arg5[%swap3A_39, %swap3A_40, %swap3A_41], %broadcast_in_dim3A_38 {strides = array<i32>} : memref<1x1x128xf32, #tpu.memory_space<vmem>>, vector<1x1x128xf32>,
    return
  }
  func.func @transform_0(%arg0: i32, %arg1: memref<100xi32, #tpu.memory_space<smem>>, %arg2: memref<100xf32, #tpu.memory_space<smem>>) -> (i32, i32, i32, i32) {
    %get3A = arith.index_cast %arg0 : i32 to index
    %get3A_0 = memref.load %arg1[%get3A] : memref<100xi32, #tpu.memory_space<smem>>
    %c0_i32 = arith.constant 0 : i32
    %c0_i32_1 = arith.constant 0 : i32
    %c0_i32_2 = arith.constant 0 : i32
    %c0_i32_3 = arith.constant 0 : i32
    return %get3A_0, %c0_i32, %c0_i32_1, %c0_i32_2 : i32, i32, i32, i32
  }
  func.func @transform_1(%arg0: i32, %arg1: memref<100xi32, #tpu.memory_space<smem>>, %arg2: memref<100xf32, #tpu.memory_space<smem>>) -> (i32, i32, i32, i32) {
    %c0_i32 = arith.constant 0 : i32
    %c0_i32_0 = arith.constant 0 : i32
    %c0_i32_1 = arith.constant 0 : i32
    %c0_i32_2 = arith.constant 0 : i32
    return %arg0, %c0_i32, %c0_i32_0, %c0_i32_1 : i32, i32, i32, i32
  }
  func.func @transform_2(%arg0: i32, %arg1: memref<100xi32, #tpu.memory_space<smem>>, %arg2: memref<100xf32, #tpu.memory_space<smem>>) -> (i32, i32, i32) {
    %c0_i32 = arith.constant 0 : i32
    %c0_i32_0 = arith.constant 0 : i32
    %c0_i32_1 = arith.constant 0 : i32
    return %arg0, %c0_i32, %c0_i32_0 : i32, i32, i32
  }
}

module attributes {stable_mosaic.version = 14 : i64} {
  func.func @_topk_body(%arg0: memref<188x128xf32, #tpu.memory_space<vmem>>, %arg1: memref<300x6xf32, #tpu.memory_space<vmem>>, %arg2: memref<6x6xf32, #tpu.memory_space<vmem>>, %arg3: memref<1x128xf32, #tpu.memory_space<vmem>>, %arg4: memref<1x128xi32, #tpu.memory_space<vmem>>, %arg5: memref<304x128xf32, #tpu.memory_space<vmem>>) attributes {dimension_semantics = [], scalar_prefetch = 0 : i64, scratch_operands = 0 : i64, tpu.core_type = #tpu.core_type<tc>} {
    %get3A = arith.constant 0 : index
    %get3A_0 = arith.constant 0 : index
    %get3A_1 = vector.load %arg0[%get3A, %get3A_0] : memref<188x128xf32, #tpu.memory_space<vmem>>, vector<188x128xf32>
    %neg3A = arith.constant 0.000000e+00 : f32
    %neg3A_2 = vector.broadcast %neg3A : f32 to vector<188x128xf32>
    %neg3A_3 = arith.subf %neg3A_2, %get3A_1 : vector<188x128xf32>
    %exp3A = math.exp %neg3A_3 : vector<188x128xf32>
    %add3A = arith.constant 1.000000e+00 : f32
    %add3A_4 = vector.broadcast %add3A : f32 to vector<188x128xf32>
    %add3A_5 = arith.addf %add3A_4, %exp3A : vector<188x128xf32>
    %div3A = arith.constant 1.000000e+00 : f32
    %div3A_6 = vector.broadcast %div3A : f32 to vector<188x128xf32>
    %div3A_7 = arith.divf %div3A_6, %add3A_5 : vector<188x128xf32>
    %iota3A = tpu.iota {dimensions = array<i32: 0>} : vector<188x128xi32>
    %iota3A_8 = tpu.iota {dimensions = array<i32: 1>} : vector<188x128xi32>
    %mul3A = arith.constant 128 : i32
    %mul3A_9 = vector.broadcast %mul3A : i32 to vector<188x128xi32>
    %mul3A_10 = arith.muli %iota3A, %mul3A_9 : vector<188x128xi32>
    %add3A_11 = arith.addi %mul3A_10, %iota3A_8 : vector<188x128xi32>
    %iota3A_12 = tpu.iota {dimensions = array<i32: 1>} : vector<1x128xi32>
    %get3A_13 = arith.constant 0 : index
    %get3A_14 = arith.constant 0 : index
    %get3A_15 = vector.load %arg0[%get3A_13, %get3A_14] : memref<188x128xf32, #tpu.memory_space<vmem>>, vector<188x128xf32>
    %eq3A = arith.constant 0xFF800000 : f32
    %eq3A_16 = vector.broadcast %eq3A : f32 to vector<188x128xf32>
    %eq3A_17 = arith.cmpf oeq, %get3A_15, %eq3A_16 : vector<188x128xf32>
    %jit3A = arith.constant -1.000000e+00 : f32
    %broadcast_in_dim3A = vector.broadcast %jit3A : f32 to vector<188x128xf32>
    %select_n3A = arith.select %eq3A_17, %broadcast_in_dim3A, %div3A_7 : vector<188x128xi1>, vector<188x128xf32>
    %reduce_max3A = arith.constant dense<0xFF800000> : vector<128xf32>
    %reduce_max3A_18 = vector.multi_reduction <maximumf>, %select_n3A, %reduce_max3A [0] : vector<188x128xf32> to vector<128xf32>
    %broadcast_in_dim3A_19 = vector.shape_cast %reduce_max3A_18 : vector<128xf32> to vector<1x128xf32>
    %broadcast_in_dim3A_20 = arith.constant 0.000000e+00 : f32
    %broadcast_in_dim3A_21 = vector.broadcast %broadcast_in_dim3A_20 : f32 to vector<1x128xf32>
    %broadcast_in_dim3A_22 = arith.constant 0 : i32
    %broadcast_in_dim3A_23 = vector.broadcast %broadcast_in_dim3A_22 : i32 to vector<1x128xi32>
    %scan3A = arith.constant 0 : i32
    %scan3A_24 = arith.constant 100 : i32
    %scan3A_25 = arith.addi %scan3A, %scan3A_24 : i32
    %scan3A_26 = arith.constant 1 : i32
    %scan3A_27:4 = scf.for %scan3A_62 = %scan3A to %scan3A_25 step %scan3A_26 iter_args(%scan3A_63 = %select_n3A, %scan3A_64 = %broadcast_in_dim3A_19, %scan3A_65 = %broadcast_in_dim3A_21, %scan3A_66 = %broadcast_in_dim3A_23) -> (vector<188x128xf32>, vector<1x128xf32>, vector<1x128xf32>, vector<1x128xi32>)  : i32 {
      %reduce_max3A_67 = arith.constant dense<0xFF800000> : vector<1xf32>
      %reduce_max3A_68 = vector.multi_reduction <maximumf>, %scan3A_64, %reduce_max3A_67 [1] : vector<1x128xf32> to vector<1xf32>
      %broadcast_in_dim3A_69 = vector.shape_cast %reduce_max3A_68 : vector<1xf32> to vector<1x1xf32>
      %eq3A_70 = vector.broadcast %broadcast_in_dim3A_69 : vector<1x1xf32> to vector<188x128xf32>
      %eq3A_71 = arith.cmpf oeq, %scan3A_63, %eq3A_70 : vector<188x128xf32>
      %jit3A_72 = arith.constant 24000 : i32
      %broadcast_in_dim3A_73 = vector.broadcast %jit3A_72 : i32 to vector<188x128xi32>
      %select_n3A_74 = arith.select %eq3A_71, %add3A_11, %broadcast_in_dim3A_73 : vector<188x128xi1>, vector<188x128xi32>
      %reduce_min3A = vector.shape_cast %select_n3A_74 : vector<188x128xi32> to vector<1x188x128xi32>
      %reduce_min3A_75 = arith.constant dense<2147483647> : vector<1xi32>
      %reduce_min3A_76 = vector.multi_reduction <minsi>, %reduce_min3A, %reduce_min3A_75 [1, 2] : vector<1x188x128xi32> to vector<1xi32>
      %reduce_min3A_77 = vector.shape_cast %reduce_min3A_76 : vector<1xi32> to vector<1x1x1xi32>
      %reduce_min3A_78 = vector.extract %reduce_min3A_77[0, 0, 0] : i32 from vector<1x1x1xi32>
      %eq3A_79 = vector.broadcast %scan3A_62 : i32 to vector<1x128xi32>
      %eq3A_80 = arith.cmpi eq, %iota3A_12, %eq3A_79 : vector<1x128xi32>
      %broadcast_in_dim3A_81 = vector.shape_cast %broadcast_in_dim3A_69 : vector<1x1xf32> to vector<1x1xf32>
      %broadcast_in_dim3A_82 = vector.broadcast %broadcast_in_dim3A_81 : vector<1x1xf32> to vector<1x128xf32>
      %select_n3A_83 = arith.select %eq3A_80, %broadcast_in_dim3A_82, %scan3A_65 : vector<1x128xi1>, vector<1x128xf32>
      %broadcast_in_dim3A_84 = vector.broadcast %reduce_min3A_78 : i32 to vector<1x128xi32>
      %select_n3A_85 = arith.select %eq3A_80, %broadcast_in_dim3A_84, %scan3A_66 : vector<1x128xi1>, vector<1x128xi32>
      %eq3A_86 = vector.broadcast %reduce_min3A_78 : i32 to vector<188x128xi32>
      %eq3A_87 = arith.cmpi eq, %add3A_11, %eq3A_86 : vector<188x128xi32>
      %jit3A_88 = arith.constant -1.000000e+00 : f32
      %broadcast_in_dim3A_89 = vector.broadcast %jit3A_88 : f32 to vector<188x128xf32>
      %select_n3A_90 = arith.select %eq3A_87, %broadcast_in_dim3A_89, %scan3A_63 : vector<188x128xi1>, vector<188x128xf32>
      %jit3A_91 = arith.constant 128 : i32
      %eq3A_92 = arith.constant 0 : i32
      %eq3A_93 = arith.cmpi eq, %jit3A_91, %eq3A_92 : i32
      %jit3A_94 = arith.constant 1 : i32
      %select_n3A_95 = arith.select %eq3A_93, %jit3A_94, %jit3A_91 : i32
      %rem3A = arith.remsi %reduce_min3A_78, %select_n3A_95 : i32
      %ne3A = arith.constant 0 : i32
      %ne3A_96 = arith.cmpi ne, %rem3A, %ne3A : i32
      %lt3A = arith.constant 0 : i32
      %lt3A_97 = arith.cmpi slt, %rem3A, %lt3A : i32
      %lt3A_98 = arith.constant 0 : i32
      %lt3A_99 = arith.cmpi slt, %select_n3A_95, %lt3A_98 : i32
      %ne3A_100 = arith.xori %lt3A_97, %lt3A_99 : i1
      %and3A = arith.andi %ne3A_100, %ne3A_96 : i1
      %add3A_101 = arith.addi %rem3A, %select_n3A_95 : i32
      %select_n3A_102 = arith.select %and3A, %add3A_101, %rem3A : i32
      %eq3A_103 = vector.broadcast %select_n3A_102 : i32 to vector<1x128xi32>
      %eq3A_104 = arith.cmpi eq, %iota3A_12, %eq3A_103 : vector<1x128xi32>
      %jit3A_105 = arith.constant -1.000000e+00 : f32
      %broadcast_in_dim3A_106 = vector.shape_cast %eq3A_104 : vector<1x128xi1> to vector<1x128xi1>
      %broadcast_in_dim3A_107 = vector.broadcast %broadcast_in_dim3A_106 : vector<1x128xi1> to vector<188x128xi1>
      %broadcast_in_dim3A_108 = vector.broadcast %jit3A_105 : f32 to vector<188x128xf32>
      %select_n3A_109 = arith.select %broadcast_in_dim3A_107, %select_n3A_90, %broadcast_in_dim3A_108 : vector<188x128xi1>, vector<188x128xf32>
      %reduce_max3A_110 = arith.constant dense<0xFF800000> : vector<128xf32>
      %reduce_max3A_111 = vector.multi_reduction <maximumf>, %select_n3A_109, %reduce_max3A_110 [0] : vector<188x128xf32> to vector<128xf32>
      %broadcast_in_dim3A_112 = vector.shape_cast %reduce_max3A_111 : vector<128xf32> to vector<1x128xf32>
      %select_n3A_113 = arith.select %eq3A_104, %broadcast_in_dim3A_112, %scan3A_64 : vector<1x128xi1>, vector<1x128xf32>
      scf.yield %select_n3A_90, %select_n3A_113, %select_n3A_83, %select_n3A_85 : vector<188x128xf32>, vector<1x128xf32>, vector<1x128xf32>, vector<1x128xi32>
    }
    %scan3A_28 = arith.constant 100 : i32
    %swap3A = arith.constant 0 : index
    %swap3A_29 = arith.constant 0 : index
    %swap3A_30 = vector.load %arg3[%swap3A, %swap3A_29] : memref<1x128xf32, #tpu.memory_space<vmem>>, vector<1x128xf32>
    tpu.vector_store %arg3[%swap3A, %swap3A_29], %scan3A_27#2 {strides = array<i32>} : memref<1x128xf32, #tpu.memory_space<vmem>>, vector<1x128xf32>,
    %swap3A_31 = arith.constant 0 : index
    %swap3A_32 = arith.constant 0 : index
    %swap3A_33 = vector.load %arg4[%swap3A_31, %swap3A_32] : memref<1x128xi32, #tpu.memory_space<vmem>>, vector<1x128xi32>
    tpu.vector_store %arg4[%swap3A_31, %swap3A_32], %scan3A_27#3 {strides = array<i32>} : memref<1x128xi32, #tpu.memory_space<vmem>>, vector<1x128xi32>,
    %get3A_34 = arith.constant 0 : index
    %get3A_35 = arith.constant 0 : index
    %get3A_36 = vector.load %arg4[%get3A_34, %get3A_35] : memref<1x128xi32, #tpu.memory_space<vmem>>, vector<1x128xi32>
    %convert_element_type3A = arith.sitofp %get3A_36 : vector<1x128xi32> to vector<1x128xf32>
    %add3A_37 = arith.constant 5.000000e-01 : f32
    %add3A_38 = vector.broadcast %add3A_37 : f32 to vector<1x128xf32>
    %add3A_39 = arith.addf %convert_element_type3A, %add3A_38 : vector<1x128xf32>
    %mul3A_40 = arith.constant 1.250000e-02 : f32
    %mul3A_41 = vector.broadcast %mul3A_40 : f32 to vector<1x128xf32>
    %mul3A_42 = arith.mulf %add3A_39, %mul3A_41 : vector<1x128xf32>
    %floor3A = math.floor %mul3A_42 : vector<1x128xf32>
    %convert_element_type3A_43 = arith.fptosi %floor3A : vector<1x128xf32> to vector<1x128xi32>
    %swap3A_44 = arith.constant 0 : index
    %swap3A_45 = arith.constant 0 : index
    %swap3A_46 = vector.load %arg4[%swap3A_44, %swap3A_45] : memref<1x128xi32, #tpu.memory_space<vmem>>, vector<1x128xi32>
    tpu.vector_store %arg4[%swap3A_44, %swap3A_45], %convert_element_type3A_43 {strides = array<i32>} : memref<1x128xi32, #tpu.memory_space<vmem>>, vector<1x128xi32>,
    %get3A_47 = arith.constant 0 : index
    %get3A_48 = arith.constant 0 : index
    %get3A_49 = vector.load %arg1[%get3A_47, %get3A_48] : memref<300x6xf32, #tpu.memory_space<vmem>>, vector<300x6xf32>
    %get3A_50 = arith.constant 0 : index
    %get3A_51 = arith.constant 0 : index
    %get3A_52 = vector.load %arg2[%get3A_50, %get3A_51] : memref<6x6xf32, #tpu.memory_space<vmem>>, vector<6x6xf32>
    %dot_general3A = arith.constant dense<0.000000e+00> : vector<300x6xf32>
    %dot_general3A_53 = tpu.matmul %get3A_49, %get3A_52, %dot_general3A {dimension_numbers = #tpu.dot_dimension_numbers<[1], [0], [0], [1], [0, 0, 1, 1], [], []>, precision = #tpu.contract_precision<fp32>, transpose_lhs_hint = false} : vector<300x6xf32>, vector<6x6xf32>, vector<300x6xf32> -> vector<300x6xf32>
    %broadcast_in_dim3A_54 = arith.constant 0.000000e+00 : f32
    %broadcast_in_dim3A_55 = vector.broadcast %broadcast_in_dim3A_54 : f32 to vector<4x6xf32>
    %concatenate3A = tpu.concatenate %dot_general3A_53, %broadcast_in_dim3A_55 in 0 : vector<300x6xf32>, vector<4x6xf32> -> vector<304x6xf32>
    %broadcast_in_dim3A_56 = arith.constant 0.000000e+00 : f32
    %broadcast_in_dim3A_57 = vector.broadcast %broadcast_in_dim3A_56 : f32 to vector<304x122xf32>
    %concatenate3A_58 = tpu.concatenate %concatenate3A, %broadcast_in_dim3A_57 in 1 : vector<304x6xf32>, vector<304x122xf32> -> vector<304x128xf32>
    %swap3A_59 = arith.constant 0 : index
    %swap3A_60 = arith.constant 0 : index
    %swap3A_61 = vector.load %arg5[%swap3A_59, %swap3A_60] : memref<304x128xf32, #tpu.memory_space<vmem>>, vector<304x128xf32>
    tpu.vector_store %arg5[%swap3A_59, %swap3A_60], %concatenate3A_58 {strides = array<i32>} : memref<304x128xf32, #tpu.memory_space<vmem>>, vector<304x128xf32>,
    return
  }
}

</mosaic_0001>

<sc_bundles>
// kernel: kernel.5.cloned.1.call-start
scs
__scs_entry_jumppad:
0x0: {  	(pc) =	sbr.rel $0x88, $3  }
0x1: {  	(tag) =	ssettag $0x0;
	lr =	simm.s32 $0x1  }
0x2: {  	[smem:$0x3F9E] =	sst lr;
	_ =	strace $0xD0000000  }
0x3: {  	_ = 	snop  }
0x4: {  	_ = 	snop  }
0x5: {  	_ = 	snop  }
0x6: {  	_ = 	snop  }
0x7: {  	_ = 	snop  }
__scs_overlays_trampoline_lowered:
0x8: {  	[smem:$0x3FAD] =	sst s0  }
0x9: {  	[smem:$0x3FAE] =	sst s1  }
0xa: {  	[smem:$0x3FAF] =	sst s2  }
0xb: {  	[smem:$0x3FB0] =	sst s3  }
0xc: {  	[smem:$0x3FB1] =	sst s4  }
0xd: {  	[smem:$0x3FB2] =	sst s5  }
0xe: {  	[smem:$0x3FB3] =	sst s6  }
0xf: {  	[smem:$0x3FB4] =	sst s7  }
0x10: {  	[smem:$0x3FB5] =	sst s8  }
0x11: {  	[smem:$0x3FB6] =	sst s9;
	s0 =	simm.s32 @!p0 $0x0  }
0x12: {  	s1 =	sld [smem:$0x3F9C];
	s0 =	simm.s32 @p0 $0x1  }
0x13: {  	[smem:$0x3FB7] =	sst s0;
	s0 =	simm.s32 @!p1 $0x0  }
0x14: {  	s2 =	sld [smem:$0x3F9B];
	s0 =	simm.s32 @p1 $0x1  }
0x15: {  	[smem:$0x3FB8] =	sst s0;
	s0 =	simm.s32 @!p2 $0x0  }
0x16: {  	s3 =	sld [smem:$0x3FDB];
	s0 =	simm.s32 @p2 $0x1  }
0x17: {  	s4 =	simm.s32 $0x1BF5;
	[smem:$0x3FBA] =	sst s0  }
0x18: {  	s0 =	sld [smem:$0x3F9D];
	_ =	swait.ge [sflag:s4], $0x0  }
0x19: {  	s7 =	sld [smem:$0x3F9E]  }
0x1a: {  	s8 =	sadd.s32 $0xFFFFE003, lr  }
0x1b: {  	s9 =	sadd.s32 $0xFFFFFEF7, lr;
	s5 =	simm.s32 $0xFFFFFFFF;
	p2 =	slt.u32 s8, $0xFFFFF086  }
0x1c: {  	p1 =	slt.u32 s9, $0xF7A;
	s5 =	simm.s32 @!p2 $0x0  }
0x1d: {  	s5 =	simm.s32 @p1 $0x1;
	p0 =	seq.s32 s7, s2  }
0x1e: {  	s7 =	smul.u32 @!p0 $0xF7A, s2;
	p2 =	seq.s32 @!p0 s5, $0x0  }
0x1f: {  	s9 =	smul.u32 $0xF7A, s1;
	s8 =	simm.s32 @!p0 $0x1BF5;
	p2 =	por !p2, p0  }
0x20: {  	[sflag:s8] =	ssyncset.s32 @!p0 $0xFFFFF086;
	s6 =	sadd.s32 @!p0 s3, s7;
	s7 =	simm.s32 @!p0 $0x108  }
0x21: {  	s3 =	sadd.s32 s3, s9;
	s6 =	sadd.s32 @!p0 $0x88, s6;
	s7 =	simm.s32 @p2 $0x1082  }
0x22: {  	[simem:s7], [sflag:s8] =	dma.local @!p0 [hbm:s6], $0xF7A  }
0x23: {  	s9 =	sor.u32 $0xD0000000, s2;
	s6 =	simm.s32 $0x108;
	_ =	swait.ge @!p0 [sflag:s8], $0x0  }
0x24: {  	s3 =	sadd.s32 $0x88, s3;
	s6 =	simm.s32 @!p1 $0x1082;
	[sflag:s4] =	ssyncset.s32 $0xFFFFF086  }
0x25: {  	[simem:s6], [sflag:s4] =	dma.local [hbm:s3], $0xF7A  }
0x26: {  	[smem:$0x3F9E] =	sst s1;
	(tag) =	ssettag s2;
	_ =	strace s9  }
0x27: {  	s1 =	sld [smem:$0x3FAE]  }
0x28: {  	s2 =	sld [smem:$0x3FAF]  }
0x29: {  	s4 =	sld [smem:$0x3FB1]  }
0x2a: {  	p0 =	seq.s32 s5, $0x0;
	s5 =	sld [smem:$0x3FB2]  }
0x2b: {  	s6 =	sld [smem:$0x3FB3]  }
0x2c: {  	s7 =	sld [smem:$0x3FB4]  }
0x2d: {  	s3 =	simm.s32 $0x108;
	s8 =	sld [smem:$0x3FB5]  }
0x2e: {  	s3 =	simm.s32 @!p0 $0x1082;
	s9 =	sld [smem:$0x3FB6]  }
0x2f: {  	lr =	sadd.s32 s0, s3;
	s0 =	sld [smem:$0x3FAD]  }
0x30: {  	s3 =	sld [smem:$0x3FB0]  }
0x31: {  	[smem:$0x3FB9] =	sst s10  }
0x32: {  	s10 =	sld [smem:$0x3FB7];
	_ =	sdelay $0x3  }
0x33: {  	p0 =	seq.s32 s10, $0x1;
	s10 =	sld [smem:$0x3FB9];
	_ =	sdelay $0x3  }
0x34: {  	[smem:$0x3FB9] =	sst s10  }
0x35: {  	s10 =	sld [smem:$0x3FB8];
	_ =	sdelay $0x3  }
0x36: {  	p1 =	seq.s32 s10, $0x1;
	s10 =	sld [smem:$0x3FB9];
	_ =	sdelay $0x3  }
0x37: {  	[smem:$0x3FB9] =	sst s10  }
0x38: {  	s10 =	sld [smem:$0x3FBA]  }
0x39: {  	_ = 	snop;
	(pc) =	sbr.ind lr, $3  }
0x3a: {  	_ = 	snop  }
0x3b: {  	_ = 	snop  }
0x3c: {  	p2 =	seq.s32 s10, $0x1;
	s10 =	sld [smem:$0x3FB9]  }
0x3d: {  	_ =	shalt  }
0x3e: {  	_ =	shalt  }
0x3f: {  	_ =	shalt  }
0x40: {  	_ =	shalt  }
0x41: {  	_ =	shalt  }
0x42: {  	_ =	shalt  }
0x43: {  	_ =	shalt  }
0x44: {  	_ =	shalt  }
0x45: {  	_ =	shalt  }
0x46: {  	_ =	shalt  }
0x47: {  	_ =	shalt  }
0x48: {  	_ =	shalt  }
0x49: {  	_ =	shalt  }
0x4a: {  	_ =	shalt  }
0x4b: {  	_ =	shalt  }
0x4c: {  	_ =	shalt  }
0x4d: {  	_ =	shalt  }
0x4e: {  	_ =	shalt  }
0x4f: {  	_ =	shalt  }
0x50: {  	_ =	shalt  }
0x51: {  	_ =	shalt  }
0x52: {  	_ =	shalt  }
0x53: {  	_ =	shalt  }
0x54: {  	_ =	shalt  }
0x55: {  	_ =	shalt  }
0x56: {  	_ =	shalt  }
0x57: {  	_ =	shalt  }
0x58: {  	_ =	shalt  }
0x59: {  	_ =	shalt  }
0x5a: {  	_ =	shalt  }
0x5b: {  	_ =	shalt  }
0x5c: {  	_ =	shalt  }
0x5d: {  	_ =	shalt  }
0x5e: {  	_ =	shalt  }
0x5f: {  	_ =	shalt  }
0x60: {  	_ =	shalt  }
0x61: {  	_ =	shalt  }
0x62: {  	_ =	shalt  }
0x63: {  	_ =	shalt  }
0x64: {  	_ =	shalt  }
0x65: {  	_ =	shalt  }
0x66: {  	_ =	shalt  }
0x67: {  	_ =	shalt  }
0x68: {  	_ =	shalt  }
0x69: {  	_ =	shalt  }
0x6a: {  	_ =	shalt  }
0x6b: {  	_ =	shalt  }
0x6c: {  	_ =	shalt  }
0x6d: {  	_ =	shalt  }
0x6e: {  	_ =	shalt  }
0x6f: {  	_ =	shalt  }
0x70: {  	_ =	shalt  }
0x71: {  	_ =	shalt  }
0x72: {  	_ =	shalt  }
0x73: {  	_ =	shalt  }
0x74: {  	_ =	shalt  }
0x75: {  	_ =	shalt  }
0x76: {  	_ =	shalt  }
0x77: {  	_ =	shalt  }
0x78: {  	_ =	shalt  }
0x79: {  	_ =	shalt  }
0x7a: {  	_ =	shalt  }
0x7b: {  	_ =	shalt  }
0x7c: {  	_ =	shalt  }
0x7d: {  	_ =	shalt  }
0x7e: {  	_ =	shalt  }
0x7f: {  	_ =	shalt  }
0x80: {  	_ =	shalt  }
0x81: {  	_ =	shalt  }
0x82: {  	_ =	shalt  }
0x83: {  	_ =	shalt  }
0x84: {  	_ =	shalt  }
0x85: {  	_ =	shalt  }
0x86: {  	_ =	shalt  }
0x87: {  	_ =	shalt  }
.Lfunc_end0:
.L_simem_size_0:
called_computation_lowered:
.L_overlay_start_0:
0x88: {  	s2 =	sld [smem:$0x3FD9]  }
0x89: {  	s3 =	sld [smem:$0x3FFE];
	_ =	sdelay $0x1  }
0x8a: {  	s1 =	srdreg.scid  }
0x8b: {  	s0 =	sand.u32 $0x1, s1  }
0x8c: {  	s14 =	sshll.u32 s0, $0xA;
	s2 =	sadd.s32 s3, s2  }
0x8d: {  	s2 =	sadd.s32 s2, s14  }
0x8e: {  	[smem:$0x3FC5] =	sst s2  }
0x8f: {  	_ = 	snop  }
0x90: {  	s2 =	sld [smem:$0x3FD0];
	_ =	sdelay $0x2  }
0x91: {  	s15 =	simm.s32 $0xA;
	s4 =	simm.s32 $0x10  }
0x92: {  	[smem:s4], [sflag:s15] =	dma.local [hbm:s2], $0x1  }
0x93: {  	_ =	swait.eq [sflag:s15], $0x1  }
0x94: {  	[sflag:s15] =	ssyncset.done $0x0  }
0x95: {  	[sflag:s15] =	ssyncadd.s32 $0xFFFFFFFF  }
0x96: {  	s16 =	sld [smem:$0x11];
	(tm) =	ssettm $0x1  }
0x97: {  	s17 =	sld [smem:$0x3FFB];
	_ =	sdelay $0x3  }
0x98: {  	_ =	strace s17  }
0x99: {  	s3 =	sld [smem:$0x3FFC];
	_ =	sdelay $0x3  }
0x9a: {  	_ =	strace s3  }
0x9b: {  	s3 =	sld [smem:$0x3FFD];
	_ =	sdelay $0x3  }
0x9c: {  	_ =	strace s3  }
0x9d: {  	_ =	strace $0x8FFFFFFF  }
0x9e: {  	s18 =	sld [smem:$0x3FDB];
	_ =	sdelay $0x1  }
0x9f: {  	s19 =	simm.s32 $_scs_section_size  }
0xa0: {  	s5 =	simm.s32 $_size__tile_overlayer_lowered;
	s6 =	simm.s32 $_tile_overlayer_lowered  }
0xa1: {  	s22 =	simm.s32 $0x1BFF;
	s21 =	sshll.u32 s6, $0x1;
	s3 =	sadd.s32 s19, s18  }
0xa2: {  	s7 =	simm.s32 $0x0;
	s20 =	sshll.u32 s5, $0x1;
	s5 =	sadd.s32 s21, s3  }
0xa3: {  	[timem:s7], [sflag:s22] =	dma.local [hbm:s5], s20  }
0xa4: {  	_ =	swait.ge [sflag:s22], s20  }
0xa5: {  	s4 =	ssub.s32 $0x0, s20;
	[sflag:s22] =	ssyncset.done $0x0  }
0xa6: {  	[sflag:s22] =	ssyncadd.s32 s4;
	_ =	sdelay $0x1  }
0xa7: {  	s23 =	simm.s32 $0x1B8B  }
0xa8: {  	_ =	swait.ge [sflag:s23], $0x1  }
0xa9: {  	[sflag:s23] =	ssyncset.done $0x0  }
0xaa: {  	s25 =	simm.s32 $0x1B8E;
	s24 =	sld [smem:$0x3FFE];
	[sflag:s23] =	ssyncadd.s32 $0xFFFFFFFF  }
0xab: {  	s26 =	simm.s32 $execute0_lowered;
	[smem:$0x3FD2] =	sst s25  }
0xac: {  	s5 =	sshll.u32 s26, $0x1;
	_ =	strace $0x80000046;
	[dreg:$0x1] =	wrdreg $0xFFFFFFFF  }
0xad: {  	s28 =	simm.s32 $_size_execute0_lowered;
	s3 =	sadd.s32 s3, s5;
	[dreg:$0x0] =	wrdreg $0x0  }
0xae: {  	s5 =	sshll.u32 s28, $0x1;
	[dreg:$0x2] =	wrdreg s3  }
0xaf: {  	[dreg:$0x3] =	wrdreg s5  }
0xb0: {  	[dreg:$0x4] =	wrdreg $0xC0  }
0xb1: {  	_ =	task [dreg:s7], $0x5FFFF  }
0xb2: {  	[dreg:$0x1] =	wrdreg $0xFFFFFFFF  }
0xb3: {  	[dreg:$0x0] =	wrdreg $0x60  }
0xb4: {  	[dreg:$0x2] =	wrdreg s24  }
0xb5: {  	[dreg:$0x3] =	wrdreg s16  }
0xb6: {  	[dreg:$0x4] =	wrdreg $0x9  }
0xb7: {  	_ =	task.clear_ibuf [dreg:s7], $0x5FFFF;
	_ =	strace $0x90000046  }
0xb8: {  	s29 =	simm.s32 $0x9;
	_ =	strace $0x80000048  }
0xb9: {  	_ =	swait.ge [sflag:s29], $0x1  }
0xba: {  	[sflag:s29] =	ssyncadd.s32 $0xFFFFFFFF  }
0xbb: {  	_ =	strace $0x90000048  }
0xbc: {  	_ =	sfence  }
0xbd: {  	s30 =	sld [smem:$0x0];
	_ =	sdelay $0x2  }
0xbe: {  	s31 =	sshll.u32 s1, $0xD;
	s1 =	sshrl.u32 s1, $0x2  }
0xbf: {  	s3 =	sand.u32 $0x4000, s31;
	s1 =	sadd.s32 s1, s30  }
0xc0: {  	s0 =	sor.u32 s3, s0;
	s1 =	sshll.u32 s1, $0x11  }
0xc1: {  	s0 =	sor.u32 s1, s0  }
0xc2: {  	s0 =	sadd.s32 $0x8F2B, s0  }
0xc3: {  	[sflag:s0] =	ssyncadd.remote.s32 $0x1  }
0xc4: {  	_ =	sfence.sel $0xFFFF  }
0xc5: {  	[dreg:$0x0] =	wrdreg $0xFFFFFFFF;
	(pc) =	sbr.abs _section_cstart, $3  }
0xc6: {  	[dreg:$0x1] =	wrdreg $0xFFFFFFFF  }
0xc7: {  	_ =	task.clear_ibuf [dreg:s7], $0x2FFFF;
	_ =	strace $0x9FFFFFFF  }
0xc8: {  	(tm) =	ssettm $0x7FFFFFFF  }
0xc9: {  	_ =	shalt  }
tec
execute0_lowered:
.L_overlay_start_1:
0x0: {  	(tag) =	ssettag $0x1  }
0x1: {  	s1 =	srdreg.scid;
	s9 =	rddreg [dreg:$0x0]  }
0x2: {  	s0 =	stileid.u32;
	s3 =	rddreg [dreg:$0x1]  }
0x3: {  	s2 =	simm.s32 $0x0;
	s7 =	simm.s32 $0x80;
	s6 =	sand.u32 $0x1, s1  }
0x4: {  	s4 =	sshll.u32 s0, $0x4;
	s1 =	rddreg [dreg:$0x2];
	s5 =	sshll.u32 s6, $0x3  }
0x5: {  	s8 =	simm.s32 $0x1;
	[smem:$0x7FF] =	sst s2;
	s10 =	sor.u32 s5, s4  }
0x6: {  	_ =	strace $0x80000047;
	s11 =	ssub.s32 $0x2, s6;
	s4 =	sshrl.u32 s10, $0x3  }
0x7: {  	s6 =	simm.s32 $0x8;
	s4 =	sadd.s32 s3, s4;
	s3 =	simm.s32 $0x2  }
0x8: {  	[tilespmem:s2], [sflag:$0x2] =	stream.linear.gather [hbm4b:s4+s2], $0x8, $0x38;
	[tilespmem:$0x480] =	vst v63  }
0x9: {  	s5 =	sadd.s32 $0x800, s9;
	s12 =	sshrl.u32 s11, $0x1;
	_ =	swait.ge [sflag:s3], $0x8  }
0xa: {  	s10 =	sshll.u32 s10, $0x4;
	s31 =	ssub.s32 s11, s12;
	[sflag:s3] =	ssyncset.done $0x0  }
0xb: {  	s9 =	sadd.s32 s10, s9;
	s10 =	smax.u32 s31, $0x1;
	[sflag:s3] =	ssyncadd.s32 $0xFFFFFFF8  }
0xc: {  	[tilespmem:s7], [sflag:$0x1] =	stream.indirect.gather [hbm4b:s5+s6], $0x80, s2, s6, $0xb8;
	[tilespmem:$0x480] =	vst v63  }
0xd: {  	p0 =	sne.s32 s10, $0x1;
	_ =	swait.ge [sflag:s8], $0x400  }
.Ltmp0:
0xe: {  	[sflag:s8] =	ssyncset.done $0x0;
	(pc) =	sbr.rel @!p0 .LBB2_2-.Ltmp0, $4  }
0xf: {  	s9 =	sadd.s32 $0x1C00, s9;
	[sflag:s8] =	ssyncadd.s32 $0xFFFFFC00  }
0x10: {  	[hbm4b:s9+s2] =	stream.linear.scatter [tilespmem:s7], [sflag:$0x2], $0x400, $0x38;
	[tilespmem:$0x480] =	vst v63  }
0x11: {  	_ =	swait.ge [sflag:s3], $0x400  }
0x12: {  	s10 =	sadd.s32 $0xFFFFFFFF, s10;
	[sflag:s3] =	ssyncset.done $0x0  }
.LBB2_1:
0x13: {  	p0 =	sne.s32 s10, $0x1;
	s10 =	sadd.s32 $0xFFFFFFFF, s10;
	[sflag:s3] =	ssyncadd.s32 $0xFFFFFC00  }
0x14: {  	[tilespmem:s2], [sflag:$0x2] =	stream.linear.gather [hbm4b:s4+s2], $0x8, $0x38;
	[tilespmem:$0x480] =	vst v63  }
0x15: {  	_ =	swait.ge [sflag:s3], $0x8  }
0x16: {  	[sflag:s3] =	ssyncset.done $0x0  }
0x17: {  	[sflag:s3] =	ssyncadd.s32 $0xFFFFFFF8  }
0x18: {  	[tilespmem:s7], [sflag:$0x1] =	stream.indirect.gather [hbm4b:s5+s6], $0x80, s2, s6, $0xb8;
	[tilespmem:$0x480] =	vst v63  }
0x19: {  	_ =	swait.ge [sflag:s8], $0x400  }
.Ltmp1:
0x1a: {  	[sflag:s8] =	ssyncset.done $0x0;
	(pc) =	sbr.rel @p0 .LBB2_1-.Ltmp1, $4  }
0x1b: {  	[sflag:s8] =	ssyncadd.s32 $0xFFFFFC00  }
0x1c: {  	[hbm4b:s9+s2] =	stream.linear.scatter [tilespmem:s7], [sflag:$0x2], $0x400, $0x38;
	[tilespmem:$0x480] =	vst v63  }
0x1d: {  	_ =	swait.ge [sflag:s3], $0x400  }
0x1e: {  	[sflag:s3] =	ssyncset.done $0x0  }
.LBB2_2:
0x1f: {  	[sflag:s3] =	ssyncadd.s32 $0xFFFFFC00  }
0x20: {  	_ =	sfence.sel $0x180000  }
0x21: {  	[bflag:$0x0] =	sbarrier.arrive $0xFFFF  }
0x22: {  	p0 =	sne.s32 s0, $0x0;
	_ =	strace $0x90000047  }
0x23: {  	s0 =	sadd.s32 @!p0 $0x100000, s1;
	[bflag:$0x2] =	sbarrier.arrive $0xFFFF  }
0x24: {  	[sflag:s0] =	ssyncadd.tile.s32 @!p0 $0x1;
	_ =	shalt  }
.Lfunc_end2:
_tile_overlayer_lowered:
.L_overlay_start_2:
0x25: {  	(tag) =	ssettag $0x2  }
0x26: {  	s0 =	rddreg [dreg:$0x0];
	s2 =	stileid.u32  }
0x27: {  	s1 =	rddreg [dreg:$0x1];
	p0 =	sne.s32 s2, $0x0  }
0x28: {  	s3 =	rddreg [dreg:$0x2];
	[bflag:$0x3] =	sbarrier.arrive $0xFFFF;
	s2 =	simm.s32 @!p0 $0x1C02  }
0x29: {  	[timem:s3], [sflag:s2] =	dma.local @!p0 [hbm:s0], s1  }
0x2a: {  	s0 =	simm.s32 @!p0 $0x2  }
0x2b: {  	_ =	swait.ge @!p0 [sflag:s0], s1  }
0x2c: {  	s1 =	ssub.s32 @!p0 $0x0, s1;
	[sflag:s0] =	ssyncset.done @!p0 $0x0  }
0x2d: {  	[sflag:s0] =	ssyncadd.s32 @!p0 s1  }
0x2e: {  	[bflag:$0x3] =	sbarrier.arrive $0xFFFF  }
0x2f: {  	_ =	shalt  }

</sc_bundles>
